<compile_context>
chip_gen: v7x
topology: tpu7x:2x2x1
jax: 0.10.2.dev20260603
libtpu: 0.0.44.dev20260713+nightly
codegen_flags: <defaults>
</compile_context>

<pallas_src>
import jax
import jax.numpy as jnp
from jax import lax
from jax.experimental import pallas as pl
from jax.experimental.pallas import tpu as pltpu
from jax.experimental.pallas import tpu_sc as plsc

_B, _N, _K = 64, 32768, 2048
_NC, _NS = 2, 16
_NW = _NC * _NS
_RW = _B // _NW
_L = 16


def _gather_body(x_hbm, idx_hbm, out_hbm, x_v, i_v, o_v, sem_a, sem_b):
    wid = lax.axis_index("s") * _NC + lax.axis_index("c")
    row0 = wid * _RW
    row1 = row0 + 1

    di0 = pltpu.async_copy(idx_hbm.at[row0], i_v.at[pl.ds(0, _K)], sem_a)
    dx0 = pltpu.async_copy(x_hbm.at[row0], x_v.at[pl.ds(0, _N)], sem_a)
    di1 = pltpu.async_copy(idx_hbm.at[row1], i_v.at[pl.ds(_K, _K)], sem_b)
    dx1 = pltpu.async_copy(x_hbm.at[row1], x_v.at[pl.ds(_N, _N)], sem_b)

    def gather_row(base, bias):
        @plsc.parallel_loop(0, _K, step=_L, unroll=16)
        def step(i):
            iv = i_v[pl.ds(base + i, _L)]
            o_v[pl.ds(base + i, _L)] = plsc.load_gather(x_v, [iv + bias] if bias else [iv])

    di0.wait()
    dx0.wait()
    gather_row(0, 0)
    do0 = pltpu.async_copy(o_v.at[pl.ds(0, _K)], out_hbm.at[row0], sem_a)
    di1.wait()
    dx1.wait()
    gather_row(_K, _N)
    do1 = pltpu.async_copy(o_v.at[pl.ds(_K, _K)], out_hbm.at[row1], sem_b)
    do0.wait()
    do1.wait()


@jax.jit
def _run(x, idx):
    mesh = plsc.VectorSubcoreMesh(core_axis_name="c", subcore_axis_name="s")
    f = pl.kernel(
        _gather_body,
        out_type=jax.ShapeDtypeStruct((_B, _K), jnp.float32),
        mesh=mesh,
        scratch_types=[
            pltpu.VMEM((_RW * _N,), jnp.float32),
            pltpu.VMEM((_RW * _K,), jnp.int32),
            pltpu.VMEM((_RW * _K,), jnp.float32),
            pltpu.SemaphoreType.DMA,
            pltpu.SemaphoreType.DMA,
        ],
        compiler_params=pltpu.CompilerParams(needs_layout_passes=False),
    )
    return f(x, idx)


def kernel(x, assessment, index):
    del assessment
    return _run(x, index.astype(jnp.int32))

# --- scband reference (transcript-rebuilt; emitter-appended) ---
"""Pipeline reference for scband-selection-77945066488079 (READ-ONLY COPY).

The authoritative reference and input builder live on the scoring server;
editing this copy changes nothing except your own understanding.
"""

import jax, jax.numpy as jnp
import numpy as np


def setup_inputs(seed: int = 0) -> dict:
    key = jax.random.key(seed)
    k1, k2, k3 = jax.random.split(key, 3)
    B, N, K = 64, 32768, 2048
    x = jax.random.normal(k1, (B, N), dtype=jnp.float32)
    assessment = jax.random.normal(k2, (B, K), dtype=jnp.float32)
    index = jax.random.randint(k3, (B, K), 0, N, dtype=jnp.int64)
    return {"x": x, "assessment": assessment, "index": index}


def reference(x, assessment, index):
    # Selection.forward with a single tensor input:
    #   index is aligned to x (already same ndim, 2D) then gathered along dim=1.
    #   assessment is stored state, unused in the forward gather itself.
    out = jnp.take_along_axis(x, index, axis=1)
    return out

if __name__ == "__main__":
    import jax
    _d = setup_inputs()
    print(jax.jit(kernel)(*tuple(_d.values())))

</pallas_src>

<mosaic_0001>
#map = affine_map<(d0, d1) -> (0, 0)>
module attributes {stable_mosaic.version = 14 : i64} {
  func.func @_gather_body(%arg0: i32, %arg1: i32, %arg2: memref<64x32768xf32, #tpu.memory_space<hbm>>, %arg3: memref<64x2048xi32, #tpu.memory_space<hbm>>, %arg4: memref<64x2048xf32, #tpu.memory_space<hbm>>, %arg5: memref<65536xf32, #tpu.memory_space<vmem>>, %arg6: memref<4096xi32, #tpu.memory_space<vmem>>, %arg7: memref<4096xf32, #tpu.memory_space<vmem>>, %arg8: memref<!tpu.dma_semaphore, #tpu.memory_space<semaphore_mem>>, %arg9: memref<!tpu.dma_semaphore, #tpu.memory_space<semaphore_mem>>) attributes {dimension_semantics = [#tpu.dimension_semantics<core_parallel>, #tpu.dimension_semantics<subcore_parallel>], iteration_bounds = array<i64: 2, 16>, scalar_prefetch = 0 : i64, scratch_operands = 5 : i64, tpu.core_type = #tpu.core_type<sc_vector_subcore>, window_params = [{transform_indices = #map}, {transform_indices = #map}, {transform_indices = #map}]} {
    %mul3A = arith.constant 2 : i32
    %mul3A_0 = arith.muli %arg1, %mul3A : i32
    %add3A = arith.addi %mul3A_0, %arg0 : i32
    %mul3A_1 = arith.constant 2 : i32
    %mul3A_2 = arith.muli %add3A, %mul3A_1 : i32
    %add3A_3 = arith.constant 1 : i32
    %add3A_4 = arith.addi %mul3A_2, %add3A_3 : i32
    %dma_start3A = arith.constant 0 : i32
    %dma_start3A_5 = tpu.memref_slice %arg6[%dma_start3A] : memref<4096xi32, #tpu.memory_space<vmem>> -> memref<2048xi32, #tpu.memory_space<vmem>>
    %dma_start3A_6 = arith.constant 0 : i32
    %dma_start3A_7 = tpu.memref_slice %arg3[%mul3A_2, %dma_start3A_6] : memref<64x2048xi32, #tpu.memory_space<hbm>> -> memref<1x2048xi32, #tpu.memory_space<hbm>>
    %dma_start3A_8 = tpu.memref_squeeze %dma_start3A_7 : memref<1x2048xi32, #tpu.memory_space<hbm>> -> memref<2048xi32, #tpu.memory_space<hbm>>
    %dma_start3A_9 = arith.constant 0 : i32
    %dma_start3A_10 = tpu.memref_slice %arg6[%dma_start3A_9] : memref<4096xi32, #tpu.memory_space<vmem>> -> memref<2048xi32, #tpu.memory_space<vmem>>
    %dma_start3A_11 = arith.constant 0 : i32
    %dma_start3A_12 = tpu.memref_slice %arg3[%mul3A_2, %dma_start3A_11] : memref<64x2048xi32, #tpu.memory_space<hbm>> -> memref<1x2048xi32, #tpu.memory_space<hbm>>
    %dma_start3A_13 = tpu.memref_squeeze %dma_start3A_12 : memref<1x2048xi32, #tpu.memory_space<hbm>> -> memref<2048xi32, #tpu.memory_space<hbm>>
    tpu.enqueue_dma source(%dma_start3A_13 : memref<2048xi32, #tpu.memory_space<hbm>>) target(%dma_start3A_10 : memref<2048xi32, #tpu.memory_space<vmem>>) target_semaphore(%arg8 : memref<!tpu.dma_semaphore, #tpu.memory_space<semaphore_mem>>)
    %dma_start3A_14 = arith.constant 0 : i32
    %dma_start3A_15 = tpu.memref_slice %arg5[%dma_start3A_14] : memref<65536xf32, #tpu.memory_space<vmem>> -> memref<32768xf32, #tpu.memory_space<vmem>>
    %dma_start3A_16 = arith.constant 0 : i32
    %dma_start3A_17 = tpu.memref_slice %arg2[%mul3A_2, %dma_start3A_16] : memref<64x32768xf32, #tpu.memory_space<hbm>> -> memref<1x32768xf32, #tpu.memory_space<hbm>>
    %dma_start3A_18 = tpu.memref_squeeze %dma_start3A_17 : memref<1x32768xf32, #tpu.memory_space<hbm>> -> memref<32768xf32, #tpu.memory_space<hbm>>
    %dma_start3A_19 = arith.constant 0 : i32
    %dma_start3A_20 = tpu.memref_slice %arg5[%dma_start3A_19] : memref<65536xf32, #tpu.memory_space<vmem>> -> memref<32768xf32, #tpu.memory_space<vmem>>
    %dma_start3A_21 = arith.constant 0 : i32
    %dma_start3A_22 = tpu.memref_slice %arg2[%mul3A_2, %dma_start3A_21] : memref<64x32768xf32, #tpu.memory_space<hbm>> -> memref<1x32768xf32, #tpu.memory_space<hbm>>
    %dma_start3A_23 = tpu.memref_squeeze %dma_start3A_22 : memref<1x32768xf32, #tpu.memory_space<hbm>> -> memref<32768xf32, #tpu.memory_space<hbm>>
    tpu.enqueue_dma source(%dma_start3A_23 : memref<32768xf32, #tpu.memory_space<hbm>>) target(%dma_start3A_20 : memref<32768xf32, #tpu.memory_space<vmem>>) target_semaphore(%arg8 : memref<!tpu.dma_semaphore, #tpu.memory_space<semaphore_mem>>)
    %dma_start3A_24 = arith.constant 2048 : i32
    %dma_start3A_25 = tpu.memref_slice %arg6[%dma_start3A_24] : memref<4096xi32, #tpu.memory_space<vmem>> -> memref<2048xi32, #tpu.memory_space<vmem>>
    %dma_start3A_26 = arith.constant 0 : i32
    %dma_start3A_27 = tpu.memref_slice %arg3[%add3A_4, %dma_start3A_26] : memref<64x2048xi32, #tpu.memory_space<hbm>> -> memref<1x2048xi32, #tpu.memory_space<hbm>>
    %dma_start3A_28 = tpu.memref_squeeze %dma_start3A_27 : memref<1x2048xi32, #tpu.memory_space<hbm>> -> memref<2048xi32, #tpu.memory_space<hbm>>
    %dma_start3A_29 = arith.constant 2048 : i32
    %dma_start3A_30 = tpu.memref_slice %arg6[%dma_start3A_29] : memref<4096xi32, #tpu.memory_space<vmem>> -> memref<2048xi32, #tpu.memory_space<vmem>>
    %dma_start3A_31 = arith.constant 0 : i32
    %dma_start3A_32 = tpu.memref_slice %arg3[%add3A_4, %dma_start3A_31] : memref<64x2048xi32, #tpu.memory_space<hbm>> -> memref<1x2048xi32, #tpu.memory_space<hbm>>
    %dma_start3A_33 = tpu.memref_squeeze %dma_start3A_32 : memref<1x2048xi32, #tpu.memory_space<hbm>> -> memref<2048xi32, #tpu.memory_space<hbm>>
    tpu.enqueue_dma source(%dma_start3A_33 : memref<2048xi32, #tpu.memory_space<hbm>>) target(%dma_start3A_30 : memref<2048xi32, #tpu.memory_space<vmem>>) target_semaphore(%arg9 : memref<!tpu.dma_semaphore, #tpu.memory_space<semaphore_mem>>)
    %dma_start3A_34 = arith.constant 32768 : i32
    %dma_start3A_35 = tpu.memref_slice %arg5[%dma_start3A_34] : memref<65536xf32, #tpu.memory_space<vmem>> -> memref<32768xf32, #tpu.memory_space<vmem>>
    %dma_start3A_36 = arith.constant 0 : i32
    %dma_start3A_37 = tpu.memref_slice %arg2[%add3A_4, %dma_start3A_36] : memref<64x32768xf32, #tpu.memory_space<hbm>> -> memref<1x32768xf32, #tpu.memory_space<hbm>>
    %dma_start3A_38 = tpu.memref_squeeze %dma_start3A_37 : memref<1x32768xf32, #tpu.memory_space<hbm>> -> memref<32768xf32, #tpu.memory_space<hbm>>
    %dma_start3A_39 = arith.constant 32768 : i32
    %dma_start3A_40 = tpu.memref_slice %arg5[%dma_start3A_39] : memref<65536xf32, #tpu.memory_space<vmem>> -> memref<32768xf32, #tpu.memory_space<vmem>>
    %dma_start3A_41 = arith.constant 0 : i32
    %dma_start3A_42 = tpu.memref_slice %arg2[%add3A_4, %dma_start3A_41] : memref<64x32768xf32, #tpu.memory_space<hbm>> -> memref<1x32768xf32, #tpu.memory_space<hbm>>
    %dma_start3A_43 = tpu.memref_squeeze %dma_start3A_42 : memref<1x32768xf32, #tpu.memory_space<hbm>> -> memref<32768xf32, #tpu.memory_space<hbm>>
    tpu.enqueue_dma source(%dma_start3A_43 : memref<32768xf32, #tpu.memory_space<hbm>>) target(%dma_start3A_40 : memref<32768xf32, #tpu.memory_space<vmem>>) target_semaphore(%arg9 : memref<!tpu.dma_semaphore, #tpu.memory_space<semaphore_mem>>)
    %dma_wait3A = arith.constant 0 : i32
    %dma_wait3A_44 = tpu.memref_slice %arg6[%dma_wait3A] : memref<4096xi32, #tpu.memory_space<vmem>> -> memref<2048xi32, #tpu.memory_space<vmem>>
    %dma_wait3A_45 = arith.constant 0 : i32
    %dma_wait3A_46 = tpu.memref_slice %arg3[%mul3A_2, %dma_wait3A_45] : memref<64x2048xi32, #tpu.memory_space<hbm>> -> memref<1x2048xi32, #tpu.memory_space<hbm>>
    %dma_wait3A_47 = tpu.memref_squeeze %dma_wait3A_46 : memref<1x2048xi32, #tpu.memory_space<hbm>> -> memref<2048xi32, #tpu.memory_space<hbm>>
    %dma_wait3A_48 = arith.constant 0 : i32
    %dma_wait3A_49 = tpu.memref_slice %arg6[%dma_wait3A_48] : memref<4096xi32, #tpu.memory_space<vmem>> -> memref<2048xi32, #tpu.memory_space<vmem>>
    %dma_wait3A_50 = arith.constant 0 : i32
    %dma_wait3A_51 = tpu.memref_slice %arg3[%mul3A_2, %dma_wait3A_50] : memref<64x2048xi32, #tpu.memory_space<hbm>> -> memref<1x2048xi32, #tpu.memory_space<hbm>>
    %dma_wait3A_52 = tpu.memref_squeeze %dma_wait3A_51 : memref<1x2048xi32, #tpu.memory_space<hbm>> -> memref<2048xi32, #tpu.memory_space<hbm>>
    tpu.wait_dma2 semaphore(%arg8 : memref<!tpu.dma_semaphore, #tpu.memory_space<semaphore_mem>>) src(%dma_wait3A_52 : memref<2048xi32, #tpu.memory_space<hbm>>) dst(%dma_wait3A_49 : memref<2048xi32, #tpu.memory_space<vmem>>)
    %dma_wait3A_53 = arith.constant 0 : i32
    %dma_wait3A_54 = tpu.memref_slice %arg5[%dma_wait3A_53] : memref<65536xf32, #tpu.memory_space<vmem>> -> memref<32768xf32, #tpu.memory_space<vmem>>
    %dma_wait3A_55 = arith.constant 0 : i32
    %dma_wait3A_56 = tpu.memref_slice %arg2[%mul3A_2, %dma_wait3A_55] : memref<64x32768xf32, #tpu.memory_space<hbm>> -> memref<1x32768xf32, #tpu.memory_space<hbm>>
    %dma_wait3A_57 = tpu.memref_squeeze %dma_wait3A_56 : memref<1x32768xf32, #tpu.memory_space<hbm>> -> memref<32768xf32, #tpu.memory_space<hbm>>
    %dma_wait3A_58 = arith.constant 0 : i32
    %dma_wait3A_59 = tpu.memref_slice %arg5[%dma_wait3A_58] : memref<65536xf32, #tpu.memory_space<vmem>> -> memref<32768xf32, #tpu.memory_space<vmem>>
    %dma_wait3A_60 = arith.constant 0 : i32
    %dma_wait3A_61 = tpu.memref_slice %arg2[%mul3A_2, %dma_wait3A_60] : memref<64x32768xf32, #tpu.memory_space<hbm>> -> memref<1x32768xf32, #tpu.memory_space<hbm>>
    %dma_wait3A_62 = tpu.memref_squeeze %dma_wait3A_61 : memref<1x32768xf32, #tpu.memory_space<hbm>> -> memref<32768xf32, #tpu.memory_space<hbm>>
    tpu.wait_dma2 semaphore(%arg8 : memref<!tpu.dma_semaphore, #tpu.memory_space<semaphore_mem>>) src(%dma_wait3A_62 : memref<32768xf32, #tpu.memory_space<hbm>>) dst(%dma_wait3A_59 : memref<32768xf32, #tpu.memory_space<vmem>>)
    %parallel_loop3A = arith.constant 0 : i32
    %parallel_loop3A_63 = arith.constant 2048 : i32
    %parallel_loop3A_64 = arith.constant 16 : i32
    scf.for %parallel_loop3A_128 = %parallel_loop3A to %parallel_loop3A_63 step %parallel_loop3A_64  : i32 {
      %parallel_loop3A_129 = arith.constant 0 : i32
      %parallel_loop3A_130 = arith.addi %parallel_loop3A_129, %parallel_loop3A_128 : i32
      %parallel_loop3A_131 = arith.index_cast %parallel_loop3A_130 : i32 to index
      %parallel_loop3A_132 = tpu.vector_load %arg6[%parallel_loop3A_131] {strides = array<i32>} : memref<4096xi32, #tpu.memory_space<vmem>>, vector<16xi32>,
      %parallel_loop3A_133 = tpu.vector_load_idx %arg5[%parallel_loop3A_132] : memref<65536xf32, #tpu.memory_space<vmem>>[vector<16xi32>], vector<16xf32>,
      %parallel_loop3A_134 = arith.constant 0 : i32
      %parallel_loop3A_135 = arith.addi %parallel_loop3A_134, %parallel_loop3A_128 : i32
      %parallel_loop3A_136 = arith.index_cast %parallel_loop3A_135 : i32 to index
      %parallel_loop3A_137 = tpu.vector_load %arg7[%parallel_loop3A_136] {strides = array<i32>} : memref<4096xf32, #tpu.memory_space<vmem>>, vector<16xf32>,
      tpu.vector_store %arg7[%parallel_loop3A_136], %parallel_loop3A_133 {strides = array<i32>} : memref<4096xf32, #tpu.memory_space<vmem>>, vector<16xf32>,
    } {sc.loop_unroll_factor = 16 : i64, sc.parallel_access}
    %dma_start3A_65 = arith.constant 0 : i32
    %dma_start3A_66 = tpu.memref_slice %arg7[%dma_start3A_65] : memref<4096xf32, #tpu.memory_space<vmem>> -> memref<2048xf32, #tpu.memory_space<vmem>>
    %dma_start3A_67 = arith.constant 0 : i32
    %dma_start3A_68 = tpu.memref_slice %arg4[%mul3A_2, %dma_start3A_67] : memref<64x2048xf32, #tpu.memory_space<hbm>> -> memref<1x2048xf32, #tpu.memory_space<hbm>>
    %dma_start3A_69 = tpu.memref_squeeze %dma_start3A_68 : memref<1x2048xf32, #tpu.memory_space<hbm>> -> memref<2048xf32, #tpu.memory_space<hbm>>
    %dma_start3A_70 = arith.constant 0 : i32
    %dma_start3A_71 = tpu.memref_slice %arg4[%mul3A_2, %dma_start3A_70] : memref<64x2048xf32, #tpu.memory_space<hbm>> -> memref<1x2048xf32, #tpu.memory_space<hbm>>
    %dma_start3A_72 = tpu.memref_squeeze %dma_start3A_71 : memref<1x2048xf32, #tpu.memory_space<hbm>> -> memref<2048xf32, #tpu.memory_space<hbm>>
    %dma_start3A_73 = arith.constant 0 : i32
    %dma_start3A_74 = tpu.memref_slice %arg7[%dma_start3A_73] : memref<4096xf32, #tpu.memory_space<vmem>> -> memref<2048xf32, #tpu.memory_space<vmem>>
    tpu.enqueue_dma source(%dma_start3A_74 : memref<2048xf32, #tpu.memory_space<vmem>>) target(%dma_start3A_72 : memref<2048xf32, #tpu.memory_space<hbm>>) target_semaphore(%arg8 : memref<!tpu.dma_semaphore, #tpu.memory_space<semaphore_mem>>)
    %dma_wait3A_75 = arith.constant 2048 : i32
    %dma_wait3A_76 = tpu.memref_slice %arg6[%dma_wait3A_75] : memref<4096xi32, #tpu.memory_space<vmem>> -> memref<2048xi32, #tpu.memory_space<vmem>>
    %dma_wait3A_77 = arith.constant 0 : i32
    %dma_wait3A_78 = tpu.memref_slice %arg3[%add3A_4, %dma_wait3A_77] : memref<64x2048xi32, #tpu.memory_space<hbm>> -> memref<1x2048xi32, #tpu.memory_space<hbm>>
    %dma_wait3A_79 = tpu.memref_squeeze %dma_wait3A_78 : memref<1x2048xi32, #tpu.memory_space<hbm>> -> memref<2048xi32, #tpu.memory_space<hbm>>
    %dma_wait3A_80 = arith.constant 2048 : i32
    %dma_wait3A_81 = tpu.memref_slice %arg6[%dma_wait3A_80] : memref<4096xi32, #tpu.memory_space<vmem>> -> memref<2048xi32, #tpu.memory_space<vmem>>
    %dma_wait3A_82 = arith.constant 0 : i32
    %dma_wait3A_83 = tpu.memref_slice %arg3[%add3A_4, %dma_wait3A_82] : memref<64x2048xi32, #tpu.memory_space<hbm>> -> memref<1x2048xi32, #tpu.memory_space<hbm>>
    %dma_wait3A_84 = tpu.memref_squeeze %dma_wait3A_83 : memref<1x2048xi32, #tpu.memory_space<hbm>> -> memref<2048xi32, #tpu.memory_space<hbm>>
    tpu.wait_dma2 semaphore(%arg9 : memref<!tpu.dma_semaphore, #tpu.memory_space<semaphore_mem>>) src(%dma_wait3A_84 : memref<2048xi32, #tpu.memory_space<hbm>>) dst(%dma_wait3A_81 : memref<2048xi32, #tpu.memory_space<vmem>>)
    %dma_wait3A_85 = arith.constant 32768 : i32
    %dma_wait3A_86 = tpu.memref_slice %arg5[%dma_wait3A_85] : memref<65536xf32, #tpu.memory_space<vmem>> -> memref<32768xf32, #tpu.memory_space<vmem>>
    %dma_wait3A_87 = arith.constant 0 : i32
    %dma_wait3A_88 = tpu.memref_slice %arg2[%add3A_4, %dma_wait3A_87] : memref<64x32768xf32, #tpu.memory_space<hbm>> -> memref<1x32768xf32, #tpu.memory_space<hbm>>
    %dma_wait3A_89 = tpu.memref_squeeze %dma_wait3A_88 : memref<1x32768xf32, #tpu.memory_space<hbm>> -> memref<32768xf32, #tpu.memory_space<hbm>>
    %dma_wait3A_90 = arith.constant 32768 : i32
    %dma_wait3A_91 = tpu.memref_slice %arg5[%dma_wait3A_90] : memref<65536xf32, #tpu.memory_space<vmem>> -> memref<32768xf32, #tpu.memory_space<vmem>>
    %dma_wait3A_92 = arith.constant 0 : i32
    %dma_wait3A_93 = tpu.memref_slice %arg2[%add3A_4, %dma_wait3A_92] : memref<64x32768xf32, #tpu.memory_space<hbm>> -> memref<1x32768xf32, #tpu.memory_space<hbm>>
    %dma_wait3A_94 = tpu.memref_squeeze %dma_wait3A_93 : memref<1x32768xf32, #tpu.memory_space<hbm>> -> memref<32768xf32, #tpu.memory_space<hbm>>
    tpu.wait_dma2 semaphore(%arg9 : memref<!tpu.dma_semaphore, #tpu.memory_space<semaphore_mem>>) src(%dma_wait3A_94 : memref<32768xf32, #tpu.memory_space<hbm>>) dst(%dma_wait3A_91 : memref<32768xf32, #tpu.memory_space<vmem>>)
    %parallel_loop3A_95 = arith.constant 0 : i32
    %parallel_loop3A_96 = arith.constant 2048 : i32
    %parallel_loop3A_97 = arith.constant 16 : i32
    scf.for %parallel_loop3A_128 = %parallel_loop3A_95 to %parallel_loop3A_96 step %parallel_loop3A_97  : i32 {
      %parallel_loop3A_129 = arith.constant 2048 : i32
      %parallel_loop3A_130 = arith.addi %parallel_loop3A_129, %parallel_loop3A_128 : i32
      %parallel_loop3A_131 = arith.index_cast %parallel_loop3A_130 : i32 to index
      %parallel_loop3A_132 = tpu.vector_load %arg6[%parallel_loop3A_131] {strides = array<i32>} : memref<4096xi32, #tpu.memory_space<vmem>>, vector<16xi32>,
      %parallel_loop3A_133 = arith.constant 32768 : i32
      %parallel_loop3A_134 = vector.broadcast %parallel_loop3A_133 : i32 to vector<16xi32>
      %parallel_loop3A_135 = arith.addi %parallel_loop3A_132, %parallel_loop3A_134 : vector<16xi32>
      %parallel_loop3A_136 = tpu.vector_load_idx %arg5[%parallel_loop3A_135] : memref<65536xf32, #tpu.memory_space<vmem>>[vector<16xi32>], vector<16xf32>,
      %parallel_loop3A_137 = arith.constant 2048 : i32
      %parallel_loop3A_138 = arith.addi %parallel_loop3A_137, %parallel_loop3A_128 : i32
      %parallel_loop3A_139 = arith.index_cast %parallel_loop3A_138 : i32 to index
      %parallel_loop3A_140 = tpu.vector_load %arg7[%parallel_loop3A_139] {strides = array<i32>} : memref<4096xf32, #tpu.memory_space<vmem>>, vector<16xf32>,
      tpu.vector_store %arg7[%parallel_loop3A_139], %parallel_loop3A_136 {strides = array<i32>} : memref<4096xf32, #tpu.memory_space<vmem>>, vector<16xf32>,
    } {sc.loop_unroll_factor = 16 : i64, sc.parallel_access}
    %dma_start3A_98 = arith.constant 2048 : i32
    %dma_start3A_99 = tpu.memref_slice %arg7[%dma_start3A_98] : memref<4096xf32, #tpu.memory_space<vmem>> -> memref<2048xf32, #tpu.memory_space<vmem>>
    %dma_start3A_100 = arith.constant 0 : i32
    %dma_start3A_101 = tpu.memref_slice %arg4[%add3A_4, %dma_start3A_100] : memref<64x2048xf32, #tpu.memory_space<hbm>> -> memref<1x2048xf32, #tpu.memory_space<hbm>>
    %dma_start3A_102 = tpu.memref_squeeze %dma_start3A_101 : memref<1x2048xf32, #tpu.memory_space<hbm>> -> memref<2048xf32, #tpu.memory_space<hbm>>
    %dma_start3A_103 = arith.constant 0 : i32
    %dma_start3A_104 = tpu.memref_slice %arg4[%add3A_4, %dma_start3A_103] : memref<64x2048xf32, #tpu.memory_space<hbm>> -> memref<1x2048xf32, #tpu.memory_space<hbm>>
    %dma_start3A_105 = tpu.memref_squeeze %dma_start3A_104 : memref<1x2048xf32, #tpu.memory_space<hbm>> -> memref<2048xf32, #tpu.memory_space<hbm>>
    %dma_start3A_106 = arith.constant 2048 : i32
    %dma_start3A_107 = tpu.memref_slice %arg7[%dma_start3A_106] : memref<4096xf32, #tpu.memory_space<vmem>> -> memref<2048xf32, #tpu.memory_space<vmem>>
    tpu.enqueue_dma source(%dma_start3A_107 : memref<2048xf32, #tpu.memory_space<vmem>>) target(%dma_start3A_105 : memref<2048xf32, #tpu.memory_space<hbm>>) target_semaphore(%arg9 : memref<!tpu.dma_semaphore, #tpu.memory_space<semaphore_mem>>)
    %dma_wait3A_108 = arith.constant 0 : i32
    %dma_wait3A_109 = tpu.memref_slice %arg7[%dma_wait3A_108] : memref<4096xf32, #tpu.memory_space<vmem>> -> memref<2048xf32, #tpu.memory_space<vmem>>
    %dma_wait3A_110 = arith.constant 0 : i32
    %dma_wait3A_111 = tpu.memref_slice %arg4[%mul3A_2, %dma_wait3A_110] : memref<64x2048xf32, #tpu.memory_space<hbm>> -> memref<1x2048xf32, #tpu.memory_space<hbm>>
    %dma_wait3A_112 = tpu.memref_squeeze %dma_wait3A_111 : memref<1x2048xf32, #tpu.memory_space<hbm>> -> memref<2048xf32, #tpu.memory_space<hbm>>
    %dma_wait3A_113 = arith.constant 0 : i32
    %dma_wait3A_114 = tpu.memref_slice %arg4[%mul3A_2, %dma_wait3A_113] : memref<64x2048xf32, #tpu.memory_space<hbm>> -> memref<1x2048xf32, #tpu.memory_space<hbm>>
    %dma_wait3A_115 = tpu.memref_squeeze %dma_wait3A_114 : memref<1x2048xf32, #tpu.memory_space<hbm>> -> memref<2048xf32, #tpu.memory_space<hbm>>
    %dma_wait3A_116 = arith.constant 0 : i32
    %dma_wait3A_117 = tpu.memref_slice %arg7[%dma_wait3A_116] : memref<4096xf32, #tpu.memory_space<vmem>> -> memref<2048xf32, #tpu.memory_space<vmem>>
    tpu.wait_dma2 semaphore(%arg8 : memref<!tpu.dma_semaphore, #tpu.memory_space<semaphore_mem>>) src(%dma_wait3A_117 : memref<2048xf32, #tpu.memory_space<vmem>>) dst(%dma_wait3A_115 : memref<2048xf32, #tpu.memory_space<hbm>>)
    %dma_wait3A_118 = arith.constant 2048 : i32
    %dma_wait3A_119 = tpu.memref_slice %arg7[%dma_wait3A_118] : memref<4096xf32, #tpu.memory_space<vmem>> -> memref<2048xf32, #tpu.memory_space<vmem>>
    %dma_wait3A_120 = arith.constant 0 : i32
    %dma_wait3A_121 = tpu.memref_slice %arg4[%add3A_4, %dma_wait3A_120] : memref<64x2048xf32, #tpu.memory_space<hbm>> -> memref<1x2048xf32, #tpu.memory_space<hbm>>
    %dma_wait3A_122 = tpu.memref_squeeze %dma_wait3A_121 : memref<1x2048xf32, #tpu.memory_space<hbm>> -> memref<2048xf32, #tpu.memory_space<hbm>>
    %dma_wait3A_123 = arith.constant 0 : i32
    %dma_wait3A_124 = tpu.memref_slice %arg4[%add3A_4, %dma_wait3A_123] : memref<64x2048xf32, #tpu.memory_space<hbm>> -> memref<1x2048xf32, #tpu.memory_space<hbm>>
    %dma_wait3A_125 = tpu.memref_squeeze %dma_wait3A_124 : memref<1x2048xf32, #tpu.memory_space<hbm>> -> memref<2048xf32, #tpu.memory_space<hbm>>
    %dma_wait3A_126 = arith.constant 2048 : i32
    %dma_wait3A_127 = tpu.memref_slice %arg7[%dma_wait3A_126] : memref<4096xf32, #tpu.memory_space<vmem>> -> memref<2048xf32, #tpu.memory_space<vmem>>
    tpu.wait_dma2 semaphore(%arg9 : memref<!tpu.dma_semaphore, #tpu.memory_space<semaphore_mem>>) src(%dma_wait3A_127 : memref<2048xf32, #tpu.memory_space<vmem>>) dst(%dma_wait3A_125 : memref<2048xf32, #tpu.memory_space<hbm>>)
    return
  }
}

</mosaic_0001>

<sc_bundles>
// kernel: _run.3.cloned.1.call-start
scs
__scs_entry_jumppad:
0x0: {  	(pc) =	sbr.rel $0x88, $3  }
0x1: {  	(tag) =	ssettag $0x0;
	lr =	simm.s32 $0x1  }
0x2: {  	[smem:$0x3F9F] =	sst lr;
	_ =	strace $0xD0000000  }
0x3: {  	_ = 	snop  }
0x4: {  	_ = 	snop  }
0x5: {  	_ = 	snop  }
0x6: {  	_ = 	snop  }
0x7: {  	_ = 	snop  }
__scs_overlays_trampoline_lowered:
0x8: {  	[smem:$0x3FAE] =	sst s0  }
0x9: {  	[smem:$0x3FAF] =	sst s1  }
0xa: {  	[smem:$0x3FB0] =	sst s2  }
0xb: {  	[smem:$0x3FB1] =	sst s3  }
0xc: {  	[smem:$0x3FB2] =	sst s4  }
0xd: {  	[smem:$0x3FB3] =	sst s5  }
0xe: {  	[smem:$0x3FB4] =	sst s6  }
0xf: {  	[smem:$0x3FB5] =	sst s7  }
0x10: {  	[smem:$0x3FB6] =	sst s8  }
0x11: {  	[smem:$0x3FB7] =	sst s9;
	s0 =	simm.s32 @!p0 $0x0  }
0x12: {  	s1 =	sld [smem:$0x3F9D];
	s0 =	simm.s32 @p0 $0x1  }
0x13: {  	[smem:$0x3FB8] =	sst s0;
	s0 =	simm.s32 @!p1 $0x0  }
0x14: {  	s2 =	sld [smem:$0x3F9C];
	s0 =	simm.s32 @p1 $0x1  }
0x15: {  	[smem:$0x3FB9] =	sst s0;
	s0 =	simm.s32 @!p2 $0x0  }
0x16: {  	s3 =	sld [smem:$0x3FDB];
	s0 =	simm.s32 @p2 $0x1  }
0x17: {  	s4 =	simm.s32 $0x1BF5;
	[smem:$0x3FBB] =	sst s0  }
0x18: {  	s0 =	sld [smem:$0x3F9E];
	_ =	swait.ge [sflag:s4], $0x0  }
0x19: {  	s7 =	sld [smem:$0x3F9F]  }
0x1a: {  	s8 =	sadd.s32 $0xFFFFE003, lr  }
0x1b: {  	s9 =	sadd.s32 $0xFFFFFEF7, lr;
	s5 =	simm.s32 $0xFFFFFFFF;
	p2 =	slt.u32 s8, $0xFFFFF086  }
0x1c: {  	p1 =	slt.u32 s9, $0xF7A;
	s5 =	simm.s32 @!p2 $0x0  }
0x1d: {  	s5 =	simm.s32 @p1 $0x1;
	p0 =	seq.s32 s7, s2  }
0x1e: {  	s7 =	smul.u32 @!p0 $0xF7A, s2;
	p2 =	seq.s32 @!p0 s5, $0x0  }
0x1f: {  	s9 =	smul.u32 $0xF7A, s1;
	s8 =	simm.s32 @!p0 $0x1BF5;
	p2 =	por !p2, p0  }
0x20: {  	[sflag:s8] =	ssyncset.s32 @!p0 $0xFFFFF086;
	s6 =	sadd.s32 @!p0 s3, s7;
	s7 =	simm.s32 @!p0 $0x108  }
0x21: {  	s3 =	sadd.s32 s3, s9;
	s6 =	sadd.s32 @!p0 $0x88, s6;
	s7 =	simm.s32 @p2 $0x1082  }
0x22: {  	[simem:s7], [sflag:s8] =	dma.local @!p0 [hbm:s6], $0xF7A  }
0x23: {  	s9 =	sor.u32 $0xD0000000, s2;
	s6 =	simm.s32 $0x108;
	_ =	swait.ge @!p0 [sflag:s8], $0x0  }
0x24: {  	s3 =	sadd.s32 $0x88, s3;
	s6 =	simm.s32 @!p1 $0x1082;
	[sflag:s4] =	ssyncset.s32 $0xFFFFF086  }
0x25: {  	[simem:s6], [sflag:s4] =	dma.local [hbm:s3], $0xF7A  }
0x26: {  	[smem:$0x3F9F] =	sst s1;
	(tag) =	ssettag s2;
	_ =	strace s9  }
0x27: {  	s1 =	sld [smem:$0x3FAF]  }
0x28: {  	s2 =	sld [smem:$0x3FB0]  }
0x29: {  	s4 =	sld [smem:$0x3FB2]  }
0x2a: {  	p0 =	seq.s32 s5, $0x0;
	s5 =	sld [smem:$0x3FB3]  }
0x2b: {  	s6 =	sld [smem:$0x3FB4]  }
0x2c: {  	s7 =	sld [smem:$0x3FB5]  }
0x2d: {  	s3 =	simm.s32 $0x108;
	s8 =	sld [smem:$0x3FB6]  }
0x2e: {  	s3 =	simm.s32 @!p0 $0x1082;
	s9 =	sld [smem:$0x3FB7]  }
0x2f: {  	lr =	sadd.s32 s0, s3;
	s0 =	sld [smem:$0x3FAE]  }
0x30: {  	s3 =	sld [smem:$0x3FB1]  }
0x31: {  	[smem:$0x3FBA] =	sst s10  }
0x32: {  	s10 =	sld [smem:$0x3FB8];
	_ =	sdelay $0x3  }
0x33: {  	p0 =	seq.s32 s10, $0x1;
	s10 =	sld [smem:$0x3FBA];
	_ =	sdelay $0x3  }
0x34: {  	[smem:$0x3FBA] =	sst s10  }
0x35: {  	s10 =	sld [smem:$0x3FB9];
	_ =	sdelay $0x3  }
0x36: {  	p1 =	seq.s32 s10, $0x1;
	s10 =	sld [smem:$0x3FBA];
	_ =	sdelay $0x3  }
0x37: {  	[smem:$0x3FBA] =	sst s10  }
0x38: {  	s10 =	sld [smem:$0x3FBB]  }
0x39: {  	_ = 	snop;
	(pc) =	sbr.ind lr, $3  }
0x3a: {  	_ = 	snop  }
0x3b: {  	_ = 	snop  }
0x3c: {  	p2 =	seq.s32 s10, $0x1;
	s10 =	sld [smem:$0x3FBA]  }
0x3d: {  	_ =	shalt  }
0x3e: {  	_ =	shalt  }
0x3f: {  	_ =	shalt  }
0x40: {  	_ =	shalt  }
0x41: {  	_ =	shalt  }
0x42: {  	_ =	shalt  }
0x43: {  	_ =	shalt  }
0x44: {  	_ =	shalt  }
0x45: {  	_ =	shalt  }
0x46: {  	_ =	shalt  }
0x47: {  	_ =	shalt  }
0x48: {  	_ =	shalt  }
0x49: {  	_ =	shalt  }
0x4a: {  	_ =	shalt  }
0x4b: {  	_ =	shalt  }
0x4c: {  	_ =	shalt  }
0x4d: {  	_ =	shalt  }
0x4e: {  	_ =	shalt  }
0x4f: {  	_ =	shalt  }
0x50: {  	_ =	shalt  }
0x51: {  	_ =	shalt  }
0x52: {  	_ =	shalt  }
0x53: {  	_ =	shalt  }
0x54: {  	_ =	shalt  }
0x55: {  	_ =	shalt  }
0x56: {  	_ =	shalt  }
0x57: {  	_ =	shalt  }
0x58: {  	_ =	shalt  }
0x59: {  	_ =	shalt  }
0x5a: {  	_ =	shalt  }
0x5b: {  	_ =	shalt  }
0x5c: {  	_ =	shalt  }
0x5d: {  	_ =	shalt  }
0x5e: {  	_ =	shalt  }
0x5f: {  	_ =	shalt  }
0x60: {  	_ =	shalt  }
0x61: {  	_ =	shalt  }
0x62: {  	_ =	shalt  }
0x63: {  	_ =	shalt  }
0x64: {  	_ =	shalt  }
0x65: {  	_ =	shalt  }
0x66: {  	_ =	shalt  }
0x67: {  	_ =	shalt  }
0x68: {  	_ =	shalt  }
0x69: {  	_ =	shalt  }
0x6a: {  	_ =	shalt  }
0x6b: {  	_ =	shalt  }
0x6c: {  	_ =	shalt  }
0x6d: {  	_ =	shalt  }
0x6e: {  	_ =	shalt  }
0x6f: {  	_ =	shalt  }
0x70: {  	_ =	shalt  }
0x71: {  	_ =	shalt  }
0x72: {  	_ =	shalt  }
0x73: {  	_ =	shalt  }
0x74: {  	_ =	shalt  }
0x75: {  	_ =	shalt  }
0x76: {  	_ =	shalt  }
0x77: {  	_ =	shalt  }
0x78: {  	_ =	shalt  }
0x79: {  	_ =	shalt  }
0x7a: {  	_ =	shalt  }
0x7b: {  	_ =	shalt  }
0x7c: {  	_ =	shalt  }
0x7d: {  	_ =	shalt  }
0x7e: {  	_ =	shalt  }
0x7f: {  	_ =	shalt  }
0x80: {  	_ =	shalt  }
0x81: {  	_ =	shalt  }
0x82: {  	_ =	shalt  }
0x83: {  	_ =	shalt  }
0x84: {  	_ =	shalt  }
0x85: {  	_ =	shalt  }
0x86: {  	_ =	shalt  }
0x87: {  	_ =	shalt  }
.Lfunc_end0:
.L_simem_size_0:
called_computation_lowered:
.L_overlay_start_0:
0x88: {  	s2 =	sld [smem:$0x3FD9]  }
0x89: {  	s3 =	sld [smem:$0x3FFE];
	_ =	sdelay $0x1  }
0x8a: {  	s1 =	srdreg.scid  }
0x8b: {  	s0 =	sand.u32 $0x1, s1  }
0x8c: {  	s18 =	sshll.u32 s0, $0xA;
	s2 =	sadd.s32 s3, s2  }
0x8d: {  	s2 =	sadd.s32 s2, s18  }
0x8e: {  	[smem:$0x3FC6] =	sst s2  }
0x8f: {  	_ = 	snop  }
0x90: {  	s2 =	sld [smem:$0x3FC9]  }
0x91: {  	s19 =	sld [smem:$0x3FC8]  }
0x92: {  	s4 =	sld [smem:$0x3FD0];
	(tm) =	ssettm $0x1  }
0x93: {  	s5 =	sld [smem:$0x3FFB];
	_ =	sdelay $0x3  }
0x94: {  	_ =	strace s5  }
0x95: {  	s5 =	sld [smem:$0x3FFC];
	_ =	sdelay $0x3  }
0x96: {  	_ =	strace s5  }
0x97: {  	s5 =	sld [smem:$0x3FFD];
	_ =	sdelay $0x3  }
0x98: {  	_ =	strace s5  }
0x99: {  	_ =	strace $0x8FFFFFFF  }
0x9a: {  	s20 =	sld [smem:$0x3FDB];
	_ =	sdelay $0x1  }
0x9b: {  	s6 =	simm.s32 $_scs_section_size  }
0x9c: {  	s7 =	simm.s32 $_size__tile_overlayer_lowered;
	s8 =	simm.s32 $_tile_overlayer_lowered  }
0x9d: {  	s23 =	simm.s32 $0x1BFF;
	s22 =	sshll.u32 s8, $0x1;
	s5 =	sadd.s32 s6, s20  }
0x9e: {  	s9 =	simm.s32 $0x0;
	s21 =	sshll.u32 s7, $0x1;
	s7 =	sadd.s32 s22, s5  }
0x9f: {  	[timem:s9], [sflag:s23] =	dma.local [hbm:s7], s21  }
0xa0: {  	_ =	swait.ge [sflag:s23], s21  }
0xa1: {  	s6 =	ssub.s32 $0x0, s21;
	[sflag:s23] =	ssyncset.done $0x0  }
0xa2: {  	[sflag:s23] =	ssyncadd.s32 s6;
	_ =	sdelay $0x1  }
0xa3: {  	s24 =	simm.s32 $0x1B8B  }
0xa4: {  	_ =	swait.ge [sflag:s24], $0x1  }
0xa5: {  	[sflag:s24] =	ssyncset.done $0x0  }
0xa6: {  	s25 =	simm.s32 $0x1B8E;
	[sflag:s24] =	ssyncadd.s32 $0xFFFFFFFF  }
0xa7: {  	s26 =	simm.s32 $execute0_lowered;
	[smem:$0x3FD2] =	sst s25  }
0xa8: {  	s6 =	sshll.u32 s26, $0x1;
	_ =	strace $0x80000046;
	[dreg:$0x1] =	wrdreg $0xFFFFFFFF  }
0xa9: {  	s28 =	simm.s32 $_size_execute0_lowered;
	s5 =	sadd.s32 s5, s6;
	[dreg:$0x0] =	wrdreg $0x0  }
0xaa: {  	s6 =	sshll.u32 s28, $0x1;
	[dreg:$0x2] =	wrdreg s5  }
0xab: {  	[dreg:$0x3] =	wrdreg s6  }
0xac: {  	[dreg:$0x4] =	wrdreg $0xC0  }
0xad: {  	_ =	task [dreg:s9], $0x5FFFF  }
0xae: {  	[dreg:$0x1] =	wrdreg $0xFFFFFFFF  }
0xaf: {  	[dreg:$0x0] =	wrdreg $0x60  }
0xb0: {  	[dreg:$0x2] =	wrdreg s2  }
0xb1: {  	[dreg:$0x3] =	wrdreg s19  }
0xb2: {  	[dreg:$0x4] =	wrdreg s4  }
0xb3: {  	[dreg:$0x5] =	wrdreg $0x9  }
0xb4: {  	_ =	task.clear_ibuf [dreg:s9], $0x6FFFF;
	_ =	strace $0x90000046  }
0xb5: {  	s29 =	simm.s32 $0x9;
	_ =	strace $0x80000048  }
0xb6: {  	_ =	swait.ge [sflag:s29], $0x1  }
0xb7: {  	[sflag:s29] =	ssyncadd.s32 $0xFFFFFFFF  }
0xb8: {  	_ =	strace $0x90000048  }
0xb9: {  	_ =	sfence  }
0xba: {  	s30 =	sld [smem:$0x0];
	_ =	sdelay $0x2  }
0xbb: {  	s31 =	sshll.u32 s1, $0xD;
	s1 =	sshrl.u32 s1, $0x2  }
0xbc: {  	s3 =	sand.u32 $0x4000, s31;
	s1 =	sadd.s32 s1, s30  }
0xbd: {  	s0 =	sor.u32 s3, s0;
	s1 =	sshll.u32 s1, $0x11  }
0xbe: {  	s0 =	sor.u32 s1, s0  }
0xbf: {  	s0 =	sadd.s32 $0x8F2B, s0  }
0xc0: {  	[sflag:s0] =	ssyncadd.remote.s32 $0x1  }
0xc1: {  	_ =	sfence.sel $0xFFFF  }
0xc2: {  	[dreg:$0x0] =	wrdreg $0xFFFFFFFF;
	(pc) =	sbr.abs _section_cstart, $3  }
0xc3: {  	[dreg:$0x1] =	wrdreg $0xFFFFFFFF  }
0xc4: {  	_ =	task.clear_ibuf [dreg:s9], $0x2FFFF;
	_ =	strace $0x9FFFFFFF  }
0xc5: {  	(tm) =	ssettm $0x7FFFFFFF  }
tec
execute0_lowered:
.L_overlay_start_1:
0x0: {  	(tag) =	ssettag $0x1  }
0x1: {  	s6 =	rddreg [dreg:$0x0]  }
0x2: {  	s5 =	rddreg [dreg:$0x1]  }
0x3: {  	s8 =	rddreg [dreg:$0x2]  }
0x4: {  	s0 =	rddreg [dreg:$0x3]  }
0x5: {  	s2 =	simm.s32 $0x0;
	s3 =	srdreg.scid;
	s1 =	stileid.u32  }
0x6: {  	s13 =	simm.s32 $0x10800;
	s14 =	simm.s32 $0x8000;
	s15 =	simm.s32 $0x1  }
0x7: {  	s16 =	simm.s32 $0x11000;
	s17 =	simm.s32 $0x2;
	s18 =	simm.s32 $0x11800  }
0x8: {  	s19 =	simm.s32 $0x0;
	[smem:$0x7FF] =	sst s2;
	s3 =	sand.u32 $0x1, s3  }
0x9: {  	s4 =	sshll.u32 s1, $0x9;
	s9 =	sshrl.u32 s1, $0x1;
	s7 =	sshll.u32 s3, $0x8  }
0xa: {  	s4 =	sand.u32 $0x200, s4;
	s3 =	ssub.s32 $0x2, s3;
	s10 =	sshll.u32 s9, $0xE  }
0xb: {  	_ =	strace $0x80000047;
	s4 =	sor.u32 s7, s4;
	s29 =	sshrl.u32 s3, $0x1  }
0xc: {  	s9 =	sshll.u32 s9, $0x12;
	s11 =	sor.u32 s10, s4;
	s12 =	ssub.s32 s3, s29  }
0xd: {  	s31 =	sor.u32 s9, s4;
	s4 =	sor.u32 $0x80, s4;
	s30 =	sshrl.u32 s11, $0x3  }
0xe: {  	s11 =	sshrl.u32 s31, $0x3;
	s10 =	sor.u32 s10, s4;
	s9 =	sor.u32 s9, s4  }
0xf: {  	s3 =	sadd.s32 s5, s30;
	s4 =	sadd.s32 s6, s11;
	s10 =	sshrl.u32 s10, $0x3  }
0x10: {  	s9 =	sshrl.u32 s9, $0x3;
	s7 =	sadd.s32 s8, s30;
	s11 =	simm.s32 $0x400  }
0x11: {  	s5 =	sadd.s32 s5, s10;
	s6 =	sadd.s32 s6, s9;
	s8 =	sadd.s32 s8, s10  }
0x12: {  	s9 =	smax.u32 s12, $0x1;
	s10 =	simm.s32 $0x80;
	s12 =	simm.s32 $0x10000  }
.LBB2_1:
0x13: {  	[tilespmem:s12], [sflag:$0x1] =	stream.strided.gather [hbm4b:s3+s10], $0x800, s11, s10, $0x38;
	[tilespmem:$0x12000] =	vst v63  }
0x14: {  	_ = 	snop  }
0x15: {  	[tilespmem:s2], [sflag:$0x1] =	stream.strided.gather [hbm4b:s4+s10], $0x8000, s11, s10, $0x38;
	[tilespmem:$0x12000] =	vst v63  }
0x16: {  	_ = 	snop  }
0x17: {  	[tilespmem:s13], [sflag:$0x2] =	stream.strided.gather [hbm4b:s5+s10], $0x800, s11, s10, $0x38;
	[tilespmem:$0x12000] =	vst v63  }
0x18: {  	_ = 	snop  }
0x19: {  	[tilespmem:s14], [sflag:$0x2] =	stream.strided.gather [hbm4b:s6+s10], $0x8000, s11, s10, $0x38;
	[tilespmem:$0x12000] =	vst v63  }
0x1a: {  	_ =	swait.ge [sflag:s15], $0x800  }
0x1b: {  	[sflag:s15] =	ssyncset.done $0x0  }
0x1c: {  	[sflag:s15] =	ssyncadd.s32 $0xFFFFF800  }
0x1d: {  	_ =	swait.ge [sflag:s15], $0x8000  }
0x1e: {  	[sflag:s15] =	ssyncset.done $0x0  }
0x1f: {  	s20 =	simm.s32 $0x10080;
	[sflag:s15] =	ssyncadd.s32 $0xFFFF8000  }
0x20: {  	v0 =	vld [tilespmem:s20+$0x70]  }
0x21: {  	v1 =	vld [tilespmem:s20+$0xFFFFFF90]  }
0x22: {  	v2 =	vld [tilespmem:s20+$0xFFFFFFA0]  }
0x23: {  	v3 =	vld [tilespmem:s20+$0xFFFFFFB0]  }
0x24: {  	v4 =	vld [tilespmem:s20+$0xFFFFFFC0]  }
0x25: {  	v5 =	vld [tilespmem:s20+$0xFFFFFFD0]  }
0x26: {  	v6 =	vld [tilespmem:s20+$0xFFFFFFE0]  }
0x27: {  	v7 =	vld [tilespmem:s20+$0xFFFFFFF0]  }
0x28: {  	v8 =	vld [tilespmem:s20+$0x0]  }
0x29: {  	v9 =	vld [tilespmem:s20+$0x10]  }
0x2a: {  	v10 =	vld [tilespmem:s20+$0x20]  }
0x2b: {  	v11 =	vld [tilespmem:s20+$0x30]  }
0x2c: {  	v12 =	vld [tilespmem:s20+$0x40]  }
0x2d: {  	v13 =	vld [tilespmem:s20+$0x50]  }
0x2e: {  	v14 =	vld [tilespmem:s20+$0x60]  }
0x2f: {  	v15 =	vld [tilespmem:s20+$0xFFFFFF80]  }
0x30: {  	v0 =	vld.idx.msk [tilespmem:v0+s2+$0x0], $0xffff  }
0x31: {  	v1 =	vld.idx.msk [tilespmem:v1+s2+$0x0], $0xffff  }
0x32: {  	v2 =	vld.idx.msk [tilespmem:v2+s2+$0x0], $0xffff  }
0x33: {  	v3 =	vld.idx.msk [tilespmem:v3+s2+$0x0], $0xffff  }
0x34: {  	v4 =	vld.idx.msk [tilespmem:v4+s2+$0x0], $0xffff  }
0x35: {  	s20 =	simm.s32 $0x11080;
	v5 =	vld.idx.msk [tilespmem:v5+s2+$0x0], $0xffff  }
0x36: {  	v6 =	vld.idx.msk [tilespmem:v6+s2+$0x0], $0xffff;
	[tilespmem:s20+$0x70] =	vst v0  }
0x37: {  	v7 =	vld.idx.msk [tilespmem:v7+s2+$0x0], $0xffff;
	[tilespmem:s20+$0xFFFFFF90] =	vst v1  }
0x38: {  	v15 =	vld.idx.msk [tilespmem:v15+s2+$0x0], $0xffff;
	[tilespmem:s20+$0xFFFFFFA0] =	vst v2  }
0x39: {  	v8 =	vld.idx.msk [tilespmem:v8+s2+$0x0], $0xffff;
	[tilespmem:s20+$0xFFFFFFB0] =	vst v3  }
0x3a: {  	[tilespmem:s20+$0xFFFFFFC0] =	vst v4;
	v0 =	vld.idx.msk [tilespmem:v9+s2+$0x0], $0xffff  }
0x3b: {  	[tilespmem:s20+$0xFFFFFFD0] =	vst v5;
	v1 =	vld.idx.msk [tilespmem:v10+s2+$0x0], $0xffff  }
0x3c: {  	[tilespmem:s20+$0xFFFFFFE0] =	vst v6;
	v2 =	vld.idx.msk [tilespmem:v11+s2+$0x0], $0xffff  }
0x3d: {  	[tilespmem:s20+$0xFFFFFFF0] =	vst v7;
	v3 =	vld.idx.msk [tilespmem:v12+s2+$0x0], $0xffff  }
0x3e: {  	[tilespmem:s20+$0xFFFFFF80] =	vst v15;
	v4 =	vld.idx.msk [tilespmem:v13+s2+$0x0], $0xffff  }
0x3f: {  	s21 =	simm.s32 $0x0;
	s22 =	simm.s32 $0x10180;
	[tilespmem:s20+$0x0] =	vst v8;
	v5 =	vld.idx.msk [tilespmem:v14+s2+$0x0], $0xffff  }
.LBB2_2:
0x40: {  	v6 =	vld [tilespmem:s22+$0x70];
	s21 =	sadd.s32 $0x100, s21;
	[tilespmem:s20+$0x10] =	vst v0  }
0x41: {  	v0 =	vld [tilespmem:s22+$0xFFFFFF90];
	p0 =	slt.u32 s21, $0x700;
	[tilespmem:s20+$0x20] =	vst v1  }
0x42: {  	v1 =	vld [tilespmem:s22+$0xFFFFFFA0];
	[tilespmem:s20+$0x30] =	vst v2  }
0x43: {  	v2 =	vld [tilespmem:s22+$0xFFFFFFB0];
	[tilespmem:s20+$0x40] =	vst v3  }
0x44: {  	v3 =	vld [tilespmem:s22+$0xFFFFFFC0];
	[tilespmem:s20+$0x50] =	vst v4  }
0x45: {  	v4 =	vld [tilespmem:s22+$0xFFFFFFD0];
	[tilespmem:s20+$0x60] =	vst v5  }
0x46: {  	v5 =	vld [tilespmem:s22+$0xFFFFFFE0]  }
0x47: {  	v7 =	vld [tilespmem:s22+$0xFFFFFFF0]  }
0x48: {  	v6 =	vld.idx.msk [tilespmem:v6+s2+$0x0], $0xffff  }
0x49: {  	v8 =	vld [tilespmem:s22+$0x0]  }
0x4a: {  	v9 =	vld [tilespmem:s22+$0x10]  }
0x4b: {  	v10 =	vld [tilespmem:s22+$0x20]  }
0x4c: {  	v11 =	vld [tilespmem:s22+$0x30]  }
0x4d: {  	s20 =	sadd.s32 $0x100, s20;
	v12 =	vld [tilespmem:s22+$0x40]  }
0x4e: {  	v13 =	vld [tilespmem:s22+$0x50];
	[tilespmem:s20+$0x70] =	vst v6  }
0x4f: {  	v6 =	vld [tilespmem:s22+$0x60]  }
0x50: {  	v14 =	vld [tilespmem:s22+$0xFFFFFF80]  }
0x51: {  	v0 =	vld.idx.msk [tilespmem:v0+s2+$0x0], $0xffff  }
0x52: {  	v1 =	vld.idx.msk [tilespmem:v1+s2+$0x0], $0xffff  }
0x53: {  	v2 =	vld.idx.msk [tilespmem:v2+s2+$0x0], $0xffff  }
0x54: {  	v3 =	vld.idx.msk [tilespmem:v3+s2+$0x0], $0xffff  }
0x55: {  	v4 =	vld.idx.msk [tilespmem:v4+s2+$0x0], $0xffff  }
0x56: {  	v5 =	vld.idx.msk [tilespmem:v5+s2+$0x0], $0xffff  }
0x57: {  	[tilespmem:s20+$0xFFFFFF90] =	vst v0;
	v7 =	vld.idx.msk [tilespmem:v7+s2+$0x0], $0xffff  }
0x58: {  	v14 =	vld.idx.msk [tilespmem:v14+s2+$0x0], $0xffff;
	[tilespmem:s20+$0xFFFFFFA0] =	vst v1  }
0x59: {  	[tilespmem:s20+$0xFFFFFFB0] =	vst v2;
	v8 =	vld.idx.msk [tilespmem:v8+s2+$0x0], $0xffff  }
0x5a: {  	[tilespmem:s20+$0xFFFFFFC0] =	vst v3;
	v0 =	vld.idx.msk [tilespmem:v9+s2+$0x0], $0xffff  }
.Ltmp0:
0x5b: {  	[tilespmem:s20+$0xFFFFFFD0] =	vst v4;
	v1 =	vld.idx.msk [tilespmem:v10+s2+$0x0], $0xffff;
	(pc) =	sbr.rel @p0 .LBB2_2-.Ltmp0, $4  }
0x5c: {  	[tilespmem:s20+$0xFFFFFFE0] =	vst v5;
	v2 =	vld.idx.msk [tilespmem:v11+s2+$0x0], $0xffff  }
0x5d: {  	[tilespmem:s20+$0xFFFFFFF0] =	vst v7;
	v3 =	vld.idx.msk [tilespmem:v12+s2+$0x0], $0xffff  }
0x5e: {  	[tilespmem:s20+$0xFFFFFF80] =	vst v14;
	v4 =	vld.idx.msk [tilespmem:v13+s2+$0x0], $0xffff  }
0x5f: {  	s22 =	sadd.s32 $0x100, s22;
	[tilespmem:s20+$0x0] =	vst v8;
	v5 =	vld.idx.msk [tilespmem:v6+s2+$0x0], $0xffff  }
0x60: {  	[tilespmem:s20+$0x10] =	vst v0  }
0x61: {  	[tilespmem:s20+$0x20] =	vst v1  }
0x62: {  	[tilespmem:s20+$0x30] =	vst v2  }
0x63: {  	[tilespmem:s20+$0x40] =	vst v3  }
0x64: {  	[tilespmem:s20+$0x50] =	vst v4  }
0x65: {  	[tilespmem:s20+$0x60] =	vst v5  }
0x66: {  	[hbm4b:s7+s10] =	stream.strided.scatter [tilespmem:s16], [sflag:$0x1], $0x800, s11, s10, $0x38;
	[tilespmem:$0x12000] =	vst v63  }
0x67: {  	_ =	swait.ge [sflag:s17], $0x800  }
0x68: {  	[sflag:s17] =	ssyncset.done $0x0  }
0x69: {  	[sflag:s17] =	ssyncadd.s32 $0xFFFFF800  }
0x6a: {  	_ =	swait.ge [sflag:s17], $0x8000  }
0x6b: {  	[sflag:s17] =	ssyncset.done $0x0  }
0x6c: {  	s31 =	simm.s32 $0x108F0;
	[sflag:s17] =	ssyncadd.s32 $0xFFFF8000  }
0x6d: {  	v0 =	vld [tilespmem:s31+$0x0]  }
0x6e: {  	v1 =	vld [tilespmem:s31+$0xFFFFFF20]  }
0x6f: {  	v2 =	vld [tilespmem:s31+$0xFFFFFF30]  }
0x70: {  	v3 =	vld [tilespmem:s31+$0xFFFFFF40]  }
0x71: {  	v4 =	vld [tilespmem:s31+$0xFFFFFF50]  }
0x72: {  	v5 =	vld [tilespmem:s31+$0xFFFFFF60]  }
0x73: {  	v6 =	vld [tilespmem:s31+$0xFFFFFF70]  }
0x74: {  	v7 =	vld [tilespmem:s31+$0xFFFFFF80]  }
0x75: {  	v8 =	vld [tilespmem:s31+$0xFFFFFF90]  }
0x76: {  	v9 =	vld [tilespmem:s31+$0xFFFFFFA0]  }
0x77: {  	v10 =	vld [tilespmem:s31+$0xFFFFFFB0]  }
0x78: {  	v11 =	vld [tilespmem:s31+$0xFFFFFFC0];
	v0 =	vadd.s32 $0x8000, v0  }
0x79: {  	v12 =	vld [tilespmem:s31+$0xFFFFFFD0];
	v1 =	vadd.s32 $0x8000, v1  }
0x7a: {  	v13 =	vld [tilespmem:s31+$0xFFFFFFE0];
	v2 =	vadd.s32 $0x8000, v2  }
0x7b: {  	v14 =	vld [tilespmem:s31+$0xFFFFFFF0];
	v3 =	vadd.s32 $0x8000, v3  }
0x7c: {  	v15 =	vld [tilespmem:s31+$0xFFFFFF10];
	v4 =	vadd.s32 $0x8000, v4  }
0x7d: {  	v5 =	vadd.s32 $0x8000, v5;
	v0 =	vld.idx.msk [tilespmem:v0+s2+$0x0], $0xffff  }
0x7e: {  	v6 =	vadd.s32 $0x8000, v6;
	v1 =	vld.idx.msk [tilespmem:v1+s2+$0x0], $0xffff  }
0x7f: {  	v7 =	vadd.s32 $0x8000, v7;
	v2 =	vld.idx.msk [tilespmem:v2+s2+$0x0], $0xffff  }
0x80: {  	v8 =	vadd.s32 $0x8000, v8;
	v3 =	vld.idx.msk [tilespmem:v3+s2+$0x0], $0xffff  }
0x81: {  	v9 =	vadd.s32 $0x8000, v9;
	v4 =	vld.idx.msk [tilespmem:v4+s2+$0x0], $0xffff  }
0x82: {  	s20 =	simm.s32 $0x118F0;
	v15 =	vadd.s32 $0x8000, v15;
	v5 =	vld.idx.msk [tilespmem:v5+s2+$0x0], $0xffff  }
0x83: {  	v10 =	vadd.s32 $0x8000, v10;
	v6 =	vld.idx.msk [tilespmem:v6+s2+$0x0], $0xffff;
	[tilespmem:s20+$0x0] =	vst v0  }
0x84: {  	v11 =	vadd.s32 $0x8000, v11;
	v7 =	vld.idx.msk [tilespmem:v7+s2+$0x0], $0xffff;
	[tilespmem:s20+$0xFFFFFF20] =	vst v1  }
0x85: {  	v12 =	vadd.s32 $0x8000, v12;
	v8 =	vld.idx.msk [tilespmem:v8+s2+$0x0], $0xffff;
	[tilespmem:s20+$0xFFFFFF30] =	vst v2  }
0x86: {  	v13 =	vadd.s32 $0x8000, v13;
	v9 =	vld.idx.msk [tilespmem:v9+s2+$0x0], $0xffff;
	[tilespmem:s20+$0xFFFFFF40] =	vst v3  }
0x87: {  	v14 =	vadd.s32 $0x8000, v14;
	v0 =	vld.idx.msk [tilespmem:v15+s2+$0x0], $0xffff;
	[tilespmem:s20+$0xFFFFFF50] =	vst v4  }
0x88: {  	[tilespmem:s20+$0xFFFFFF60] =	vst v5;
	v1 =	vld.idx.msk [tilespmem:v10+s2+$0x0], $0xffff  }
0x89: {  	[tilespmem:s20+$0xFFFFFF70] =	vst v6;
	v2 =	vld.idx.msk [tilespmem:v11+s2+$0x0], $0xffff  }
0x8a: {  	[tilespmem:s20+$0xFFFFFF80] =	vst v7;
	v3 =	vld.idx.msk [tilespmem:v12+s2+$0x0], $0xffff  }
0x8b: {  	[tilespmem:s20+$0xFFFFFF90] =	vst v8;
	v4 =	vld.idx.msk [tilespmem:v13+s2+$0x0], $0xffff  }
0x8c: {  	s21 =	simm.s32 $0x0;
	s22 =	simm.s32 $0x109F0;
	[tilespmem:s20+$0xFFFFFFA0] =	vst v9;
	v5 =	vld.idx.msk [tilespmem:v14+s2+$0x0], $0xffff  }
.LBB2_4:
0x8d: {  	v6 =	vld [tilespmem:s22+$0x0];
	s21 =	sadd.s32 $0x100, s21;
	[tilespmem:s20+$0xFFFFFF10] =	vst v0  }
0x8e: {  	v0 =	vld [tilespmem:s22+$0xFFFFFF20];
	p0 =	slt.u32 s21, $0x700;
	[tilespmem:s20+$0xFFFFFFB0] =	vst v1  }
0x8f: {  	v1 =	vld [tilespmem:s22+$0xFFFFFF30];
	[tilespmem:s20+$0xFFFFFFC0] =	vst v2  }
0x90: {  	v2 =	vld [tilespmem:s22+$0xFFFFFF40];
	[tilespmem:s20+$0xFFFFFFD0] =	vst v3  }
0x91: {  	v3 =	vld [tilespmem:s22+$0xFFFFFF50];
	[tilespmem:s20+$0xFFFFFFE0] =	vst v4  }
0x92: {  	v4 =	vld [tilespmem:s22+$0xFFFFFF60];
	v6 =	vadd.s32 $0x8000, v6;
	[tilespmem:s20+$0xFFFFFFF0] =	vst v5  }
0x93: {  	v0 =	vadd.s32 $0x8000, v0;
	v5 =	vld [tilespmem:s22+$0xFFFFFF70]  }
0x94: {  	v1 =	vadd.s32 $0x8000, v1;
	v7 =	vld [tilespmem:s22+$0xFFFFFF80]  }
0x95: {  	v2 =	vadd.s32 $0x8000, v2;
	v8 =	vld [tilespmem:s22+$0xFFFFFF90]  }
0x96: {  	v3 =	vadd.s32 $0x8000, v3;
	v9 =	vld [tilespmem:s22+$0xFFFFFFA0]  }
0x97: {  	v4 =	vadd.s32 $0x8000, v4;
	v6 =	vld.idx.msk [tilespmem:v6+s2+$0x0], $0xffff  }
0x98: {  	v5 =	vadd.s32 $0x8000, v5;
	v10 =	vld [tilespmem:s22+$0xFFFFFFB0]  }
0x99: {  	v7 =	vadd.s32 $0x8000, v7;
	v11 =	vld [tilespmem:s22+$0xFFFFFFC0]  }
0x9a: {  	v8 =	vadd.s32 $0x8000, v8;
	v12 =	vld [tilespmem:s22+$0xFFFFFFD0]  }
0x9b: {  	v9 =	vadd.s32 $0x8000, v9;
	v13 =	vld [tilespmem:s22+$0xFFFFFFE0]  }
0x9c: {  	s20 =	sadd.s32 $0x100, s20;
	v14 =	vld [tilespmem:s22+$0xFFFFFFF0]  }
0x9d: {  	v15 =	vld [tilespmem:s22+$0xFFFFFF10];
	v10 =	vadd.s32 $0x8000, v10;
	[tilespmem:s20+$0x0] =	vst v6  }
0x9e: {  	v0 =	vld.idx.msk [tilespmem:v0+s2+$0x0], $0xffff;
	v6 =	vadd.s32 $0x8000, v11  }
0x9f: {  	v1 =	vld.idx.msk [tilespmem:v1+s2+$0x0], $0xffff;
	v11 =	vadd.s32 $0x8000, v12  }
0xa0: {  	v2 =	vld.idx.msk [tilespmem:v2+s2+$0x0], $0xffff;
	v12 =	vadd.s32 $0x8000, v13  }
0xa1: {  	v3 =	vld.idx.msk [tilespmem:v3+s2+$0x0], $0xffff;
	v13 =	vadd.s32 $0x8000, v14  }
0xa2: {  	v14 =	vadd.s32 $0x8000, v15;
	v4 =	vld.idx.msk [tilespmem:v4+s2+$0x0], $0xffff  }
0xa3: {  	v5 =	vld.idx.msk [tilespmem:v5+s2+$0x0], $0xffff  }
0xa4: {  	[tilespmem:s20+$0xFFFFFF20] =	vst v0;
	v7 =	vld.idx.msk [tilespmem:v7+s2+$0x0], $0xffff  }
0xa5: {  	[tilespmem:s20+$0xFFFFFF30] =	vst v1;
	v8 =	vld.idx.msk [tilespmem:v8+s2+$0x0], $0xffff  }
0xa6: {  	[tilespmem:s20+$0xFFFFFF40] =	vst v2;
	v9 =	vld.idx.msk [tilespmem:v9+s2+$0x0], $0xffff  }
0xa7: {  	v0 =	vld.idx.msk [tilespmem:v14+s2+$0x0], $0xffff;
	[tilespmem:s20+$0xFFFFFF50] =	vst v3  }
.Ltmp1:
0xa8: {  	[tilespmem:s20+$0xFFFFFF60] =	vst v4;
	v1 =	vld.idx.msk [tilespmem:v10+s2+$0x0], $0xffff;
	(pc) =	sbr.rel @p0 .LBB2_4-.Ltmp1, $4  }
0xa9: {  	[tilespmem:s20+$0xFFFFFF70] =	vst v5;
	v2 =	vld.idx.msk [tilespmem:v6+s2+$0x0], $0xffff  }
0xaa: {  	[tilespmem:s20+$0xFFFFFF80] =	vst v7;
	v3 =	vld.idx.msk [tilespmem:v11+s2+$0x0], $0xffff  }
0xab: {  	[tilespmem:s20+$0xFFFFFF90] =	vst v8;
	v4 =	vld.idx.msk [tilespmem:v12+s2+$0x0], $0xffff  }
0xac: {  	s22 =	sadd.s32 $0x100, s22;
	[tilespmem:s20+$0xFFFFFFA0] =	vst v9;
	v5 =	vld.idx.msk [tilespmem:v13+s2+$0x0], $0xffff  }
0xad: {  	[tilespmem:s20+$0xFFFFFF10] =	vst v0  }
0xae: {  	[tilespmem:s20+$0xFFFFFFB0] =	vst v1  }
0xaf: {  	[tilespmem:s20+$0xFFFFFFC0] =	vst v2  }
0xb0: {  	[tilespmem:s20+$0xFFFFFFD0] =	vst v3  }
0xb1: {  	[tilespmem:s20+$0xFFFFFFE0] =	vst v4  }
0xb2: {  	s19 =	sadd.s32 $0x1, s19;
	[tilespmem:s20+$0xFFFFFFF0] =	vst v5  }
0xb3: {  	[hbm4b:s8+s10] =	stream.strided.scatter [tilespmem:s18], [sflag:$0x2], $0x800, s11, s10, $0x38;
	[tilespmem:$0x12000] =	vst v63  }
0xb4: {  	p0 =	sne.s32 s19, s9;
	_ =	swait.ge [sflag:s15], $0x800  }
.Ltmp2:
0xb5: {  	[sflag:s15] =	ssyncset.done $0x0;
	(pc) =	sbr.rel @p0 .LBB2_1-.Ltmp2, $4  }
0xb6: {  	[sflag:s15] =	ssyncadd.s32 $0xFFFFF800  }
0xb7: {  	_ =	swait.ge [sflag:s17], $0x800  }
0xb8: {  	[sflag:s17] =	ssyncset.done $0x0  }
0xb9: {  	[sflag:s17] =	ssyncadd.s32 $0xFFFFF800  }
0xba: {  	_ =	sfence.sel $0x180000  }
0xbb: {  	[bflag:$0x0] =	sbarrier.arrive $0xFFFF  }
0xbc: {  	p0 =	sne.s32 s1, $0x0;
	_ =	strace $0x90000047  }
0xbd: {  	s0 =	sadd.s32 @!p0 $0x100000, s0;
	[bflag:$0x2] =	sbarrier.arrive $0xFFFF  }
0xbe: {  	[sflag:s0] =	ssyncadd.tile.s32 @!p0 $0x1;
	_ =	shalt  }
.Lfunc_end2:
_tile_overlayer_lowered:
.L_overlay_start_2:
0xbf: {  	(tag) =	ssettag $0x2  }
0xc0: {  	s0 =	rddreg [dreg:$0x0];
	s2 =	stileid.u32  }
0xc1: {  	s1 =	rddreg [dreg:$0x1];
	p0 =	sne.s32 s2, $0x0  }
0xc2: {  	s3 =	rddreg [dreg:$0x2];
	[bflag:$0x3] =	sbarrier.arrive $0xFFFF;
	s2 =	simm.s32 @!p0 $0x1C03  }
0xc3: {  	[timem:s3], [sflag:s2] =	dma.local @!p0 [hbm:s0], s1  }
0xc4: {  	s0 =	simm.s32 @!p0 $0x3  }
0xc5: {  	_ =	swait.ge @!p0 [sflag:s0], s1  }
0xc6: {  	s1 =	ssub.s32 @!p0 $0x0, s1;
	[sflag:s0] =	ssyncset.done @!p0 $0x0  }
0xc7: {  	[sflag:s0] =	ssyncadd.s32 @!p0 s1  }
0xc8: {  	[bflag:$0x3] =	sbarrier.arrive $0xFFFF  }
0xc9: {  	_ =	shalt  }

</sc_bundles>
